<compile_context>
chip_gen: v7x
topology: tpu7x:2x2x1
jax: 0.10.2.dev20260603
libtpu: 0.0.44.dev20260713+nightly
codegen_flags: <defaults>
</compile_context>

<pallas_src>
import functools

import jax
import jax.numpy as jnp
from jax import lax
from jax.experimental import pallas as pl
from jax.experimental.pallas import tpu as pltpu
from jax.experimental.pallas import tpu_sc as plsc

NW = 32
C = 64
NB = 2


def _emb_body(idx_hbm, table_hbm, out_hbm, idx_v, *rest):
    rows = rest[:NB]
    gsems = rest[NB:2 * NB]
    wsems = rest[2 * NB:3 * NB]
    nch = idx_hbm.shape[1]
    wid = lax.axis_index("s") * 2 + lax.axis_index("c")
    per_w = nch * C
    base = wid * per_w
    pltpu.sync_copy(idx_hbm.at[wid], idx_v)

    def out_slab(j):
        return out_hbm.at[pl.ds(pl.multiple_of(base + j * C, 8), C)]

    def start_gather(j, i):
        pltpu.async_copy(table_hbm.at[idx_v.at[j]], rows[i], gsems[i])

    def wait_gather(i):
        pltpu.make_async_copy(table_hbm.at[idx_v.at[0]], rows[i],
                              gsems[i]).wait()

    def start_write(j, i):
        pltpu.async_copy(rows[i], out_slab(j), wsems[i])

    def wait_write(i):
        pltpu.make_async_copy(rows[i], out_slab(0), wsems[i]).wait()

    for i in range(NB):
        start_gather(i, i)

    def round_(kk, carry):
        j0 = kk * NB
        for i in range(NB):
            wait_gather(i)
            start_write(j0 + i, i)
        for i in range(NB):
            wait_write(i)
            start_gather(j0 + NB + i, i)
        return carry

    lax.fori_loop(0, nch // NB - 1, round_, 0)

    j0 = nch - NB
    for i in range(NB):
        wait_gather(i)
        start_write(j0 + i, i)
    for i in range(NB):
        wait_write(i)


def kernel(input_ids, embed_table):
    b, s = input_ids.shape
    v, d = embed_table.shape
    ntok = b * s
    per_w = ntok // NW
    nch = per_w // C
    ids = input_ids.reshape(-1).astype(jnp.int32).reshape(NW, nch, C)

    run = functools.partial(
        pl.kernel,
        mesh=plsc.VectorSubcoreMesh(core_axis_name="c", subcore_axis_name="s"),
        out_type=jax.ShapeDtypeStruct((ntok, d), jnp.float32),
        scratch_types=(
            [pltpu.VMEM((nch, C), jnp.int32)]
            + [pltpu.VMEM((C, d), jnp.float32) for _ in range(NB)]
            + [pltpu.SemaphoreType.DMA for _ in range(2 * NB)]
        ),
    )(_emb_body)

    out = run(ids, embed_table)
    return out.reshape(b, s, d)

# --- scband reference (transcript-rebuilt; emitter-appended) ---
"""Pipeline reference for scband-word-embeddings-60782377173323 (READ-ONLY COPY).

The authoritative reference and input builder live on the scoring server;
editing this copy changes nothing except your own understanding.
"""

import jax, jax.numpy as jnp
import numpy as np

VOCAB_SIZE = 30522
HIDDEN_SIZE = 768
BATCH = 256
SEQ_LEN = 512


def setup_inputs(seed: int = 0) -> dict:
    key = jax.random.key(seed)
    k1, k2 = jax.random.split(key)
    input_ids = jax.random.randint(k1, (BATCH, SEQ_LEN), 0, VOCAB_SIZE, dtype=jnp.int64 if jax.config.jax_enable_x64 else jnp.int32)
    # Learned embedding table (stands in for pretrained BERT word embeddings)
    embed_table = jax.random.normal(k2, (VOCAB_SIZE, HIDDEN_SIZE), dtype=jnp.float32) * 0.02
    return {"input_ids": input_ids, "embed_table": embed_table}


def reference(input_ids, embed_table):
    # Faithful translation of WordEmbeddings.__call__:
    # flatten -> hk.Embed lookup -> reshape back to [B, S, H]
    b, s = input_ids.shape
    flat_input_ids = jnp.reshape(input_ids, [b * s])
    flat_input_embeddings = jnp.take(embed_table, flat_input_ids, axis=0)
    token_embeddings = jnp.reshape(flat_input_embeddings, [b, s, embed_table.shape[1]])
    return token_embeddings

if __name__ == "__main__":
    import jax
    _d = setup_inputs()
    print(jax.jit(kernel)(*tuple(_d.values())))

</pallas_src>

<mosaic_0001>
#map = affine_map<(d0, d1) -> (0, 0, 0)>
#map1 = affine_map<(d0, d1) -> (0, 0)>
module attributes {stable_mosaic.version = 14 : i64} {
  func.func @_emb_body(%arg0: i32, %arg1: i32, %arg2: memref<32x64x64xi32, #tpu.memory_space<hbm>>, %arg3: memref<30522x768xf32, #tpu.memory_space<hbm>>, %arg4: memref<131072x768xf32, #tpu.memory_space<hbm>>, %arg5: memref<64x64xi32, #tpu.memory_space<vmem>>, %arg6: memref<64x768xf32, #tpu.memory_space<vmem>>, %arg7: memref<64x768xf32, #tpu.memory_space<vmem>>, %arg8: memref<!tpu.dma_semaphore, #tpu.memory_space<semaphore_mem>>, %arg9: memref<!tpu.dma_semaphore, #tpu.memory_space<semaphore_mem>>, %arg10: memref<!tpu.dma_semaphore, #tpu.memory_space<semaphore_mem>>, %arg11: memref<!tpu.dma_semaphore, #tpu.memory_space<semaphore_mem>>) attributes {dimension_semantics = [#tpu.dimension_semantics<core_parallel>, #tpu.dimension_semantics<subcore_parallel>], iteration_bounds = array<i64: 2, 16>, scalar_prefetch = 0 : i64, scratch_operands = 7 : i64, tpu.core_type = #tpu.core_type<sc_vector_subcore>, window_params = [{transform_indices = #map}, {transform_indices = #map1}, {transform_indices = #map1}]} {
    %mul3A = arith.constant 2 : i32
    %mul3A_0 = arith.muli %arg1, %mul3A : i32
    %add3A = arith.addi %mul3A_0, %arg0 : i32
    %mul3A_1 = arith.constant 4096 : i32
    %mul3A_2 = arith.muli %add3A, %mul3A_1 : i32
    "tpu.region"() ({
      %run_scoped3A = tpu.sem_alloc : memref<!tpu.dma_semaphore, #tpu.memory_space<semaphore_mem>>
      %dma_start3A_61 = arith.constant 0 : i32
      %dma_start3A_62 = arith.constant 0 : i32
      %dma_start3A_63 = tpu.memref_slice %arg2[%add3A, %dma_start3A_61, %dma_start3A_62] : memref<32x64x64xi32, #tpu.memory_space<hbm>> -> memref<1x64x64xi32, #tpu.memory_space<hbm>>
      %dma_start3A_64 = tpu.memref_squeeze %dma_start3A_63 : memref<1x64x64xi32, #tpu.memory_space<hbm>> -> memref<64x64xi32, #tpu.memory_space<hbm>>
      %dma_start3A_65 = arith.constant 0 : i32
      %dma_start3A_66 = arith.constant 0 : i32
      %dma_start3A_67 = tpu.memref_slice %arg2[%add3A, %dma_start3A_65, %dma_start3A_66] : memref<32x64x64xi32, #tpu.memory_space<hbm>> -> memref<1x64x64xi32, #tpu.memory_space<hbm>>
      %dma_start3A_68 = tpu.memref_squeeze %dma_start3A_67 : memref<1x64x64xi32, #tpu.memory_space<hbm>> -> memref<64x64xi32, #tpu.memory_space<hbm>>
      tpu.enqueue_dma source(%dma_start3A_68 : memref<64x64xi32, #tpu.memory_space<hbm>>) target(%arg5 : memref<64x64xi32, #tpu.memory_space<vmem>>) target_semaphore(%run_scoped3A : memref<!tpu.dma_semaphore, #tpu.memory_space<semaphore_mem>>)
      %dma_wait3A_69 = arith.constant 0 : i32
      %dma_wait3A_70 = arith.constant 0 : i32
      %dma_wait3A_71 = tpu.memref_slice %arg2[%add3A, %dma_wait3A_69, %dma_wait3A_70] : memref<32x64x64xi32, #tpu.memory_space<hbm>> -> memref<1x64x64xi32, #tpu.memory_space<hbm>>
      %dma_wait3A_72 = tpu.memref_squeeze %dma_wait3A_71 : memref<1x64x64xi32, #tpu.memory_space<hbm>> -> memref<64x64xi32, #tpu.memory_space<hbm>>
      %dma_wait3A_73 = arith.constant 0 : i32
      %dma_wait3A_74 = arith.constant 0 : i32
      %dma_wait3A_75 = tpu.memref_slice %arg2[%add3A, %dma_wait3A_73, %dma_wait3A_74] : memref<32x64x64xi32, #tpu.memory_space<hbm>> -> memref<1x64x64xi32, #tpu.memory_space<hbm>>
      %dma_wait3A_76 = tpu.memref_squeeze %dma_wait3A_75 : memref<1x64x64xi32, #tpu.memory_space<hbm>> -> memref<64x64xi32, #tpu.memory_space<hbm>>
      tpu.wait_dma2 semaphore(%run_scoped3A : memref<!tpu.dma_semaphore, #tpu.memory_space<semaphore_mem>>) src(%dma_wait3A_76 : memref<64x64xi32, #tpu.memory_space<hbm>>) dst(%arg5 : memref<64x64xi32, #tpu.memory_space<vmem>>)
      tpu.yield
    }) : () -> ()
    %dma_start3A = arith.constant 0 : i32
    %dma_start3A_3 = arith.constant 0 : i32
    %dma_start3A_4 = tpu.memref_slice %arg5[%dma_start3A, %dma_start3A_3] : memref<64x64xi32, #tpu.memory_space<vmem>> -> memref<1x64xi32, #tpu.memory_space<vmem>>
    %dma_start3A_5 = tpu.memref_squeeze %dma_start3A_4 : memref<1x64xi32, #tpu.memory_space<vmem>> -> memref<64xi32, #tpu.memory_space<vmem>>
    %dma_start3A_6 = arith.constant 0 : i32
    %dma_start3A_7 = arith.constant 0 : i32
    %dma_start3A_8 = tpu.memref_slice %arg3[%dma_start3A_6, %dma_start3A_7] : memref<30522x768xf32, #tpu.memory_space<hbm>> -> memref<30522x768xf32, #tpu.memory_space<hbm>>
    tpu.enqueue_indirect_dma source(%dma_start3A_8 : memref<30522x768xf32, #tpu.memory_space<hbm>>) target(%arg6 : memref<64x768xf32, #tpu.memory_space<vmem>>) offsets(%dma_start3A_5 : memref<64xi32, #tpu.memory_space<vmem>>) semaphore(%arg8 : memref<!tpu.dma_semaphore, #tpu.memory_space<semaphore_mem>>)
    %dma_start3A_9 = arith.constant 1 : i32
    %dma_start3A_10 = arith.constant 0 : i32
    %dma_start3A_11 = tpu.memref_slice %arg5[%dma_start3A_9, %dma_start3A_10] : memref<64x64xi32, #tpu.memory_space<vmem>> -> memref<1x64xi32, #tpu.memory_space<vmem>>
    %dma_start3A_12 = tpu.memref_squeeze %dma_start3A_11 : memref<1x64xi32, #tpu.memory_space<vmem>> -> memref<64xi32, #tpu.memory_space<vmem>>
    %dma_start3A_13 = arith.constant 0 : i32
    %dma_start3A_14 = arith.constant 0 : i32
    %dma_start3A_15 = tpu.memref_slice %arg3[%dma_start3A_13, %dma_start3A_14] : memref<30522x768xf32, #tpu.memory_space<hbm>> -> memref<30522x768xf32, #tpu.memory_space<hbm>>
    tpu.enqueue_indirect_dma source(%dma_start3A_15 : memref<30522x768xf32, #tpu.memory_space<hbm>>) target(%arg7 : memref<64x768xf32, #tpu.memory_space<vmem>>) offsets(%dma_start3A_12 : memref<64xi32, #tpu.memory_space<vmem>>) semaphore(%arg9 : memref<!tpu.dma_semaphore, #tpu.memory_space<semaphore_mem>>)
    %scan3A = arith.constant 0 : i32
    %scan3A_16 = arith.constant 0 : i32
    %scan3A_17 = arith.constant 31 : i32
    %scan3A_18 = arith.addi %scan3A_16, %scan3A_17 : i32
    %scan3A_19 = arith.constant 1 : i32
    scf.for %scan3A_61 = %scan3A_16 to %scan3A_18 step %scan3A_19  : i32 {
      %mul3A_62 = arith.constant 2 : i32
      %mul3A_63 = arith.muli %scan3A_61, %mul3A_62 : i32
      %dma_wait3A_64 = arith.constant 0 : i32
      %dma_wait3A_65 = arith.constant 0 : i32
      %dma_wait3A_66 = tpu.memref_slice %arg5[%dma_wait3A_64, %dma_wait3A_65] : memref<64x64xi32, #tpu.memory_space<vmem>> -> memref<1x64xi32, #tpu.memory_space<vmem>>
      %dma_wait3A_67 = tpu.memref_squeeze %dma_wait3A_66 : memref<1x64xi32, #tpu.memory_space<vmem>> -> memref<64xi32, #tpu.memory_space<vmem>>
      %dma_wait3A_68 = arith.constant 0 : i32
      %dma_wait3A_69 = arith.constant 0 : i32
      %dma_wait3A_70 = tpu.memref_slice %arg3[%dma_wait3A_68, %dma_wait3A_69] : memref<30522x768xf32, #tpu.memory_space<hbm>> -> memref<30522x768xf32, #tpu.memory_space<hbm>>
      tpu.wait_indirect_dma semaphore(%arg8 : memref<!tpu.dma_semaphore, #tpu.memory_space<semaphore_mem>>) src(%dma_wait3A_70 : memref<30522x768xf32, #tpu.memory_space<hbm>>) dst(%arg6 : memref<64x768xf32, #tpu.memory_space<vmem>>)
      %add3A_71 = arith.constant 0 : i32
      %add3A_72 = arith.addi %mul3A_63, %add3A_71 : i32
      %mul3A_73 = arith.constant 64 : i32
      %mul3A_74 = arith.muli %add3A_72, %mul3A_73 : i32
      %add3A_75 = arith.addi %mul3A_2, %mul3A_74 : i32
      %multiple_of3A_76 = tpu.assume_multiple %add3A_75, 8 : i32
      %dma_start3A_77 = arith.constant 0 : i32
      %dma_start3A_78 = tpu.memref_slice %arg4[%multiple_of3A_76, %dma_start3A_77] : memref<131072x768xf32, #tpu.memory_space<hbm>> -> memref<64x768xf32, #tpu.memory_space<hbm>>
      %dma_start3A_79 = arith.constant 0 : i32
      %dma_start3A_80 = tpu.memref_slice %arg4[%multiple_of3A_76, %dma_start3A_79] : memref<131072x768xf32, #tpu.memory_space<hbm>> -> memref<64x768xf32, #tpu.memory_space<hbm>>
      tpu.enqueue_dma source(%arg6 : memref<64x768xf32, #tpu.memory_space<vmem>>) target(%dma_start3A_80 : memref<64x768xf32, #tpu.memory_space<hbm>>) target_semaphore(%arg10 : memref<!tpu.dma_semaphore, #tpu.memory_space<semaphore_mem>>)
      %dma_wait3A_81 = arith.constant 0 : i32
      %dma_wait3A_82 = arith.constant 0 : i32
      %dma_wait3A_83 = tpu.memref_slice %arg5[%dma_wait3A_81, %dma_wait3A_82] : memref<64x64xi32, #tpu.memory_space<vmem>> -> memref<1x64xi32, #tpu.memory_space<vmem>>
      %dma_wait3A_84 = tpu.memref_squeeze %dma_wait3A_83 : memref<1x64xi32, #tpu.memory_space<vmem>> -> memref<64xi32, #tpu.memory_space<vmem>>
      %dma_wait3A_85 = arith.constant 0 : i32
      %dma_wait3A_86 = arith.constant 0 : i32
      %dma_wait3A_87 = tpu.memref_slice %arg3[%dma_wait3A_85, %dma_wait3A_86] : memref<30522x768xf32, #tpu.memory_space<hbm>> -> memref<30522x768xf32, #tpu.memory_space<hbm>>
      tpu.wait_indirect_dma semaphore(%arg9 : memref<!tpu.dma_semaphore, #tpu.memory_space<semaphore_mem>>) src(%dma_wait3A_87 : memref<30522x768xf32, #tpu.memory_space<hbm>>) dst(%arg7 : memref<64x768xf32, #tpu.memory_space<vmem>>)
      %add3A_88 = arith.constant 1 : i32
      %add3A_89 = arith.addi %mul3A_63, %add3A_88 : i32
      %mul3A_90 = arith.constant 64 : i32
      %mul3A_91 = arith.muli %add3A_89, %mul3A_90 : i32
      %add3A_92 = arith.addi %mul3A_2, %mul3A_91 : i32
      %multiple_of3A_93 = tpu.assume_multiple %add3A_92, 8 : i32
      %dma_start3A_94 = arith.constant 0 : i32
      %dma_start3A_95 = tpu.memref_slice %arg4[%multiple_of3A_93, %dma_start3A_94] : memref<131072x768xf32, #tpu.memory_space<hbm>> -> memref<64x768xf32, #tpu.memory_space<hbm>>
      %dma_start3A_96 = arith.constant 0 : i32
      %dma_start3A_97 = tpu.memref_slice %arg4[%multiple_of3A_93, %dma_start3A_96] : memref<131072x768xf32, #tpu.memory_space<hbm>> -> memref<64x768xf32, #tpu.memory_space<hbm>>
      tpu.enqueue_dma source(%arg7 : memref<64x768xf32, #tpu.memory_space<vmem>>) target(%dma_start3A_97 : memref<64x768xf32, #tpu.memory_space<hbm>>) target_semaphore(%arg11 : memref<!tpu.dma_semaphore, #tpu.memory_space<semaphore_mem>>)
      %add3A_98 = arith.constant 0 : i32
      %add3A_99 = arith.addi %mul3A_2, %add3A_98 : i32
      %multiple_of3A_100 = tpu.assume_multiple %add3A_99, 8 : i32
      %dma_wait3A_101 = arith.constant 0 : i32
      %dma_wait3A_102 = tpu.memref_slice %arg4[%multiple_of3A_100, %dma_wait3A_101] : memref<131072x768xf32, #tpu.memory_space<hbm>> -> memref<64x768xf32, #tpu.memory_space<hbm>>
      %dma_wait3A_103 = arith.constant 0 : i32
      %dma_wait3A_104 = tpu.memref_slice %arg4[%multiple_of3A_100, %dma_wait3A_103] : memref<131072x768xf32, #tpu.memory_space<hbm>> -> memref<64x768xf32, #tpu.memory_space<hbm>>
      tpu.wait_dma2 semaphore(%arg10 : memref<!tpu.dma_semaphore, #tpu.memory_space<semaphore_mem>>) src(%arg6 : memref<64x768xf32, #tpu.memory_space<vmem>>) dst(%dma_wait3A_104 : memref<64x768xf32, #tpu.memory_space<hbm>>)
      %add3A_105 = arith.constant 2 : i32
      %add3A_106 = arith.addi %mul3A_63, %add3A_105 : i32
      %add3A_107 = arith.constant 0 : i32
      %add3A_108 = arith.addi %add3A_106, %add3A_107 : i32
      %dma_start3A_109 = arith.constant 0 : i32
      %dma_start3A_110 = tpu.memref_slice %arg5[%add3A_108, %dma_start3A_109] : memref<64x64xi32, #tpu.memory_space<vmem>> -> memref<1x64xi32, #tpu.memory_space<vmem>>
      %dma_start3A_111 = tpu.memref_squeeze %dma_start3A_110 : memref<1x64xi32, #tpu.memory_space<vmem>> -> memref<64xi32, #tpu.memory_space<vmem>>
      %dma_start3A_112 = arith.constant 0 : i32
      %dma_start3A_113 = arith.constant 0 : i32
      %dma_start3A_114 = tpu.memref_slice %arg3[%dma_start3A_112, %dma_start3A_113] : memref<30522x768xf32, #tpu.memory_space<hbm>> -> memref<30522x768xf32, #tpu.memory_space<hbm>>
      tpu.enqueue_indirect_dma source(%dma_start3A_114 : memref<30522x768xf32, #tpu.memory_space<hbm>>) target(%arg6 : memref<64x768xf32, #tpu.memory_space<vmem>>) offsets(%dma_start3A_111 : memref<64xi32, #tpu.memory_space<vmem>>) semaphore(%arg8 : memref<!tpu.dma_semaphore, #tpu.memory_space<semaphore_mem>>)
      %add3A_115 = arith.constant 0 : i32
      %add3A_116 = arith.addi %mul3A_2, %add3A_115 : i32
      %multiple_of3A_117 = tpu.assume_multiple %add3A_116, 8 : i32
      %dma_wait3A_118 = arith.constant 0 : i32
      %dma_wait3A_119 = tpu.memref_slice %arg4[%multiple_of3A_117, %dma_wait3A_118] : memref<131072x768xf32, #tpu.memory_space<hbm>> -> memref<64x768xf32, #tpu.memory_space<hbm>>
      %dma_wait3A_120 = arith.constant 0 : i32
      %dma_wait3A_121 = tpu.memref_slice %arg4[%multiple_of3A_117, %dma_wait3A_120] : memref<131072x768xf32, #tpu.memory_space<hbm>> -> memref<64x768xf32, #tpu.memory_space<hbm>>
      tpu.wait_dma2 semaphore(%arg11 : memref<!tpu.dma_semaphore, #tpu.memory_space<semaphore_mem>>) src(%arg7 : memref<64x768xf32, #tpu.memory_space<vmem>>) dst(%dma_wait3A_121 : memref<64x768xf32, #tpu.memory_space<hbm>>)
      %add3A_122 = arith.constant 2 : i32
      %add3A_123 = arith.addi %mul3A_63, %add3A_122 : i32
      %add3A_124 = arith.constant 1 : i32
      %add3A_125 = arith.addi %add3A_123, %add3A_124 : i32
      %dma_start3A_126 = arith.constant 0 : i32
      %dma_start3A_127 = tpu.memref_slice %arg5[%add3A_125, %dma_start3A_126] : memref<64x64xi32, #tpu.memory_space<vmem>> -> memref<1x64xi32, #tpu.memory_space<vmem>>
      %dma_start3A_128 = tpu.memref_squeeze %dma_start3A_127 : memref<1x64xi32, #tpu.memory_space<vmem>> -> memref<64xi32, #tpu.memory_space<vmem>>
      %dma_start3A_129 = arith.constant 0 : i32
      %dma_start3A_130 = arith.constant 0 : i32
      %dma_start3A_131 = tpu.memref_slice %arg3[%dma_start3A_129, %dma_start3A_130] : memref<30522x768xf32, #tpu.memory_space<hbm>> -> memref<30522x768xf32, #tpu.memory_space<hbm>>
      tpu.enqueue_indirect_dma source(%dma_start3A_131 : memref<30522x768xf32, #tpu.memory_space<hbm>>) target(%arg7 : memref<64x768xf32, #tpu.memory_space<vmem>>) offsets(%dma_start3A_128 : memref<64xi32, #tpu.memory_space<vmem>>) semaphore(%arg9 : memref<!tpu.dma_semaphore, #tpu.memory_space<semaphore_mem>>)
    }
    %scan3A_20 = arith.constant 31 : i32
    %dma_wait3A = arith.constant 0 : i32
    %dma_wait3A_21 = arith.constant 0 : i32
    %dma_wait3A_22 = tpu.memref_slice %arg5[%dma_wait3A, %dma_wait3A_21] : memref<64x64xi32, #tpu.memory_space<vmem>> -> memref<1x64xi32, #tpu.memory_space<vmem>>
    %dma_wait3A_23 = tpu.memref_squeeze %dma_wait3A_22 : memref<1x64xi32, #tpu.memory_space<vmem>> -> memref<64xi32, #tpu.memory_space<vmem>>
    %dma_wait3A_24 = arith.constant 0 : i32
    %dma_wait3A_25 = arith.constant 0 : i32
    %dma_wait3A_26 = tpu.memref_slice %arg3[%dma_wait3A_24, %dma_wait3A_25] : memref<30522x768xf32, #tpu.memory_space<hbm>> -> memref<30522x768xf32, #tpu.memory_space<hbm>>
    tpu.wait_indirect_dma semaphore(%arg8 : memref<!tpu.dma_semaphore, #tpu.memory_space<semaphore_mem>>) src(%dma_wait3A_26 : memref<30522x768xf32, #tpu.memory_space<hbm>>) dst(%arg6 : memref<64x768xf32, #tpu.memory_space<vmem>>)
    %add3A_27 = arith.constant 3968 : i32
    %add3A_28 = arith.addi %mul3A_2, %add3A_27 : i32
    %multiple_of3A = tpu.assume_multiple %add3A_28, 8 : i32
    %dma_start3A_29 = arith.constant 0 : i32
    %dma_start3A_30 = tpu.memref_slice %arg4[%multiple_of3A, %dma_start3A_29] : memref<131072x768xf32, #tpu.memory_space<hbm>> -> memref<64x768xf32, #tpu.memory_space<hbm>>
    %dma_start3A_31 = arith.constant 0 : i32
    %dma_start3A_32 = tpu.memref_slice %arg4[%multiple_of3A, %dma_start3A_31] : memref<131072x768xf32, #tpu.memory_space<hbm>> -> memref<64x768xf32, #tpu.memory_space<hbm>>
    tpu.enqueue_dma source(%arg6 : memref<64x768xf32, #tpu.memory_space<vmem>>) target(%dma_start3A_32 : memref<64x768xf32, #tpu.memory_space<hbm>>) target_semaphore(%arg10 : memref<!tpu.dma_semaphore, #tpu.memory_space<semaphore_mem>>)
    %dma_wait3A_33 = arith.constant 0 : i32
    %dma_wait3A_34 = arith.constant 0 : i32
    %dma_wait3A_35 = tpu.memref_slice %arg5[%dma_wait3A_33, %dma_wait3A_34] : memref<64x64xi32, #tpu.memory_space<vmem>> -> memref<1x64xi32, #tpu.memory_space<vmem>>
    %dma_wait3A_36 = tpu.memref_squeeze %dma_wait3A_35 : memref<1x64xi32, #tpu.memory_space<vmem>> -> memref<64xi32, #tpu.memory_space<vmem>>
    %dma_wait3A_37 = arith.constant 0 : i32
    %dma_wait3A_38 = arith.constant 0 : i32
    %dma_wait3A_39 = tpu.memref_slice %arg3[%dma_wait3A_37, %dma_wait3A_38] : memref<30522x768xf32, #tpu.memory_space<hbm>> -> memref<30522x768xf32, #tpu.memory_space<hbm>>
    tpu.wait_indirect_dma semaphore(%arg9 : memref<!tpu.dma_semaphore, #tpu.memory_space<semaphore_mem>>) src(%dma_wait3A_39 : memref<30522x768xf32, #tpu.memory_space<hbm>>) dst(%arg7 : memref<64x768xf32, #tpu.memory_space<vmem>>)
    %add3A_40 = arith.constant 4032 : i32
    %add3A_41 = arith.addi %mul3A_2, %add3A_40 : i32
    %multiple_of3A_42 = tpu.assume_multiple %add3A_41, 8 : i32
    %dma_start3A_43 = arith.constant 0 : i32
    %dma_start3A_44 = tpu.memref_slice %arg4[%multiple_of3A_42, %dma_start3A_43] : memref<131072x768xf32, #tpu.memory_space<hbm>> -> memref<64x768xf32, #tpu.memory_space<hbm>>
    %dma_start3A_45 = arith.constant 0 : i32
    %dma_start3A_46 = tpu.memref_slice %arg4[%multiple_of3A_42, %dma_start3A_45] : memref<131072x768xf32, #tpu.memory_space<hbm>> -> memref<64x768xf32, #tpu.memory_space<hbm>>
    tpu.enqueue_dma source(%arg7 : memref<64x768xf32, #tpu.memory_space<vmem>>) target(%dma_start3A_46 : memref<64x768xf32, #tpu.memory_space<hbm>>) target_semaphore(%arg11 : memref<!tpu.dma_semaphore, #tpu.memory_space<semaphore_mem>>)
    %add3A_47 = arith.constant 0 : i32
    %add3A_48 = arith.addi %mul3A_2, %add3A_47 : i32
    %multiple_of3A_49 = tpu.assume_multiple %add3A_48, 8 : i32
    %dma_wait3A_50 = arith.constant 0 : i32
    %dma_wait3A_51 = tpu.memref_slice %arg4[%multiple_of3A_49, %dma_wait3A_50] : memref<131072x768xf32, #tpu.memory_space<hbm>> -> memref<64x768xf32, #tpu.memory_space<hbm>>
    %dma_wait3A_52 = arith.constant 0 : i32
    %dma_wait3A_53 = tpu.memref_slice %arg4[%multiple_of3A_49, %dma_wait3A_52] : memref<131072x768xf32, #tpu.memory_space<hbm>> -> memref<64x768xf32, #tpu.memory_space<hbm>>
    tpu.wait_dma2 semaphore(%arg10 : memref<!tpu.dma_semaphore, #tpu.memory_space<semaphore_mem>>) src(%arg6 : memref<64x768xf32, #tpu.memory_space<vmem>>) dst(%dma_wait3A_53 : memref<64x768xf32, #tpu.memory_space<hbm>>)
    %add3A_54 = arith.constant 0 : i32
    %add3A_55 = arith.addi %mul3A_2, %add3A_54 : i32
    %multiple_of3A_56 = tpu.assume_multiple %add3A_55, 8 : i32
    %dma_wait3A_57 = arith.constant 0 : i32
    %dma_wait3A_58 = tpu.memref_slice %arg4[%multiple_of3A_56, %dma_wait3A_57] : memref<131072x768xf32, #tpu.memory_space<hbm>> -> memref<64x768xf32, #tpu.memory_space<hbm>>
    %dma_wait3A_59 = arith.constant 0 : i32
    %dma_wait3A_60 = tpu.memref_slice %arg4[%multiple_of3A_56, %dma_wait3A_59] : memref<131072x768xf32, #tpu.memory_space<hbm>> -> memref<64x768xf32, #tpu.memory_space<hbm>>
    tpu.wait_dma2 semaphore(%arg11 : memref<!tpu.dma_semaphore, #tpu.memory_space<semaphore_mem>>) src(%arg7 : memref<64x768xf32, #tpu.memory_space<vmem>>) dst(%dma_wait3A_60 : memref<64x768xf32, #tpu.memory_space<hbm>>)
    return
  }
}

</mosaic_0001>

<sc_bundles>
// kernel: kernel.3.cloned.1.call-start
scs
__scs_entry_jumppad:
0x0: {  	(pc) =	sbr.rel $0x88, $3  }
0x1: {  	(tag) =	ssettag $0x0;
	lr =	simm.s32 $0x1  }
0x2: {  	[smem:$0x3F9F] =	sst lr;
	_ =	strace $0xD0000000  }
0x3: {  	_ = 	snop  }
0x4: {  	_ = 	snop  }
0x5: {  	_ = 	snop  }
0x6: {  	_ = 	snop  }
0x7: {  	_ = 	snop  }
__scs_overlays_trampoline_lowered:
0x8: {  	[smem:$0x3FAE] =	sst s0  }
0x9: {  	[smem:$0x3FAF] =	sst s1  }
0xa: {  	[smem:$0x3FB0] =	sst s2  }
0xb: {  	[smem:$0x3FB1] =	sst s3  }
0xc: {  	[smem:$0x3FB2] =	sst s4  }
0xd: {  	[smem:$0x3FB3] =	sst s5  }
0xe: {  	[smem:$0x3FB4] =	sst s6  }
0xf: {  	[smem:$0x3FB5] =	sst s7  }
0x10: {  	[smem:$0x3FB6] =	sst s8  }
0x11: {  	[smem:$0x3FB7] =	sst s9;
	s0 =	simm.s32 @!p0 $0x0  }
0x12: {  	s1 =	sld [smem:$0x3F9D];
	s0 =	simm.s32 @p0 $0x1  }
0x13: {  	[smem:$0x3FB8] =	sst s0;
	s0 =	simm.s32 @!p1 $0x0  }
0x14: {  	s2 =	sld [smem:$0x3F9C];
	s0 =	simm.s32 @p1 $0x1  }
0x15: {  	[smem:$0x3FB9] =	sst s0;
	s0 =	simm.s32 @!p2 $0x0  }
0x16: {  	s3 =	sld [smem:$0x3FDB];
	s0 =	simm.s32 @p2 $0x1  }
0x17: {  	s4 =	simm.s32 $0x1BF5;
	[smem:$0x3FBB] =	sst s0  }
0x18: {  	s0 =	sld [smem:$0x3F9E];
	_ =	swait.ge [sflag:s4], $0x0  }
0x19: {  	s7 =	sld [smem:$0x3F9F]  }
0x1a: {  	s8 =	sadd.s32 $0xFFFFE003, lr  }
0x1b: {  	s9 =	sadd.s32 $0xFFFFFEF7, lr;
	s5 =	simm.s32 $0xFFFFFFFF;
	p2 =	slt.u32 s8, $0xFFFFF086  }
0x1c: {  	p1 =	slt.u32 s9, $0xF7A;
	s5 =	simm.s32 @!p2 $0x0  }
0x1d: {  	s5 =	simm.s32 @p1 $0x1;
	p0 =	seq.s32 s7, s2  }
0x1e: {  	s7 =	smul.u32 @!p0 $0xF7A, s2;
	p2 =	seq.s32 @!p0 s5, $0x0  }
0x1f: {  	s9 =	smul.u32 $0xF7A, s1;
	s8 =	simm.s32 @!p0 $0x1BF5;
	p2 =	por !p2, p0  }
0x20: {  	[sflag:s8] =	ssyncset.s32 @!p0 $0xFFFFF086;
	s6 =	sadd.s32 @!p0 s3, s7;
	s7 =	simm.s32 @!p0 $0x108  }
0x21: {  	s3 =	sadd.s32 s3, s9;
	s6 =	sadd.s32 @!p0 $0x88, s6;
	s7 =	simm.s32 @p2 $0x1082  }
0x22: {  	[simem:s7], [sflag:s8] =	dma.local @!p0 [hbm:s6], $0xF7A  }
0x23: {  	s9 =	sor.u32 $0xD0000000, s2;
	s6 =	simm.s32 $0x108;
	_ =	swait.ge @!p0 [sflag:s8], $0x0  }
0x24: {  	s3 =	sadd.s32 $0x88, s3;
	s6 =	simm.s32 @!p1 $0x1082;
	[sflag:s4] =	ssyncset.s32 $0xFFFFF086  }
0x25: {  	[simem:s6], [sflag:s4] =	dma.local [hbm:s3], $0xF7A  }
0x26: {  	[smem:$0x3F9F] =	sst s1;
	(tag) =	ssettag s2;
	_ =	strace s9  }
0x27: {  	s1 =	sld [smem:$0x3FAF]  }
0x28: {  	s2 =	sld [smem:$0x3FB0]  }
0x29: {  	s4 =	sld [smem:$0x3FB2]  }
0x2a: {  	p0 =	seq.s32 s5, $0x0;
	s5 =	sld [smem:$0x3FB3]  }
0x2b: {  	s6 =	sld [smem:$0x3FB4]  }
0x2c: {  	s7 =	sld [smem:$0x3FB5]  }
0x2d: {  	s3 =	simm.s32 $0x108;
	s8 =	sld [smem:$0x3FB6]  }
0x2e: {  	s3 =	simm.s32 @!p0 $0x1082;
	s9 =	sld [smem:$0x3FB7]  }
0x2f: {  	lr =	sadd.s32 s0, s3;
	s0 =	sld [smem:$0x3FAE]  }
0x30: {  	s3 =	sld [smem:$0x3FB1]  }
0x31: {  	[smem:$0x3FBA] =	sst s10  }
0x32: {  	s10 =	sld [smem:$0x3FB8];
	_ =	sdelay $0x3  }
0x33: {  	p0 =	seq.s32 s10, $0x1;
	s10 =	sld [smem:$0x3FBA];
	_ =	sdelay $0x3  }
0x34: {  	[smem:$0x3FBA] =	sst s10  }
0x35: {  	s10 =	sld [smem:$0x3FB9];
	_ =	sdelay $0x3  }
0x36: {  	p1 =	seq.s32 s10, $0x1;
	s10 =	sld [smem:$0x3FBA];
	_ =	sdelay $0x3  }
0x37: {  	[smem:$0x3FBA] =	sst s10  }
0x38: {  	s10 =	sld [smem:$0x3FBB]  }
0x39: {  	_ = 	snop;
	(pc) =	sbr.ind lr, $3  }
0x3a: {  	_ = 	snop  }
0x3b: {  	_ = 	snop  }
0x3c: {  	p2 =	seq.s32 s10, $0x1;
	s10 =	sld [smem:$0x3FBA]  }
0x3d: {  	_ =	shalt  }
0x3e: {  	_ =	shalt  }
0x3f: {  	_ =	shalt  }
0x40: {  	_ =	shalt  }
0x41: {  	_ =	shalt  }
0x42: {  	_ =	shalt  }
0x43: {  	_ =	shalt  }
0x44: {  	_ =	shalt  }
0x45: {  	_ =	shalt  }
0x46: {  	_ =	shalt  }
0x47: {  	_ =	shalt  }
0x48: {  	_ =	shalt  }
0x49: {  	_ =	shalt  }
0x4a: {  	_ =	shalt  }
0x4b: {  	_ =	shalt  }
0x4c: {  	_ =	shalt  }
0x4d: {  	_ =	shalt  }
0x4e: {  	_ =	shalt  }
0x4f: {  	_ =	shalt  }
0x50: {  	_ =	shalt  }
0x51: {  	_ =	shalt  }
0x52: {  	_ =	shalt  }
0x53: {  	_ =	shalt  }
0x54: {  	_ =	shalt  }
0x55: {  	_ =	shalt  }
0x56: {  	_ =	shalt  }
0x57: {  	_ =	shalt  }
0x58: {  	_ =	shalt  }
0x59: {  	_ =	shalt  }
0x5a: {  	_ =	shalt  }
0x5b: {  	_ =	shalt  }
0x5c: {  	_ =	shalt  }
0x5d: {  	_ =	shalt  }
0x5e: {  	_ =	shalt  }
0x5f: {  	_ =	shalt  }
0x60: {  	_ =	shalt  }
0x61: {  	_ =	shalt  }
0x62: {  	_ =	shalt  }
0x63: {  	_ =	shalt  }
0x64: {  	_ =	shalt  }
0x65: {  	_ =	shalt  }
0x66: {  	_ =	shalt  }
0x67: {  	_ =	shalt  }
0x68: {  	_ =	shalt  }
0x69: {  	_ =	shalt  }
0x6a: {  	_ =	shalt  }
0x6b: {  	_ =	shalt  }
0x6c: {  	_ =	shalt  }
0x6d: {  	_ =	shalt  }
0x6e: {  	_ =	shalt  }
0x6f: {  	_ =	shalt  }
0x70: {  	_ =	shalt  }
0x71: {  	_ =	shalt  }
0x72: {  	_ =	shalt  }
0x73: {  	_ =	shalt  }
0x74: {  	_ =	shalt  }
0x75: {  	_ =	shalt  }
0x76: {  	_ =	shalt  }
0x77: {  	_ =	shalt  }
0x78: {  	_ =	shalt  }
0x79: {  	_ =	shalt  }
0x7a: {  	_ =	shalt  }
0x7b: {  	_ =	shalt  }
0x7c: {  	_ =	shalt  }
0x7d: {  	_ =	shalt  }
0x7e: {  	_ =	shalt  }
0x7f: {  	_ =	shalt  }
0x80: {  	_ =	shalt  }
0x81: {  	_ =	shalt  }
0x82: {  	_ =	shalt  }
0x83: {  	_ =	shalt  }
0x84: {  	_ =	shalt  }
0x85: {  	_ =	shalt  }
0x86: {  	_ =	shalt  }
0x87: {  	_ =	shalt  }
.Lfunc_end0:
.L_simem_size_0:
called_computation_lowered:
.L_overlay_start_0:
0x88: {  	s2 =	sld [smem:$0x3FD9]  }
0x89: {  	s3 =	sld [smem:$0x3FFE];
	_ =	sdelay $0x1  }
0x8a: {  	s1 =	srdreg.scid  }
0x8b: {  	s0 =	sand.u32 $0x1, s1  }
0x8c: {  	s17 =	sshll.u32 s0, $0xA;
	s2 =	sadd.s32 s3, s2  }
0x8d: {  	s2 =	sadd.s32 s2, s17  }
0x8e: {  	[smem:$0x3FC6] =	sst s2  }
0x8f: {  	_ = 	snop  }
0x90: {  	s2 =	sld [smem:$0x3FC8]  }
0x91: {  	s18 =	sld [smem:$0x3FD0];
	(tm) =	ssettm $0x1  }
0x92: {  	s4 =	sld [smem:$0x3FFB];
	_ =	sdelay $0x3  }
0x93: {  	_ =	strace s4  }
0x94: {  	s4 =	sld [smem:$0x3FFC];
	_ =	sdelay $0x3  }
0x95: {  	_ =	strace s4  }
0x96: {  	s4 =	sld [smem:$0x3FFD];
	_ =	sdelay $0x3  }
0x97: {  	_ =	strace s4  }
0x98: {  	_ =	strace $0x8FFFFFFF  }
0x99: {  	s19 =	sld [smem:$0x3FDB];
	_ =	sdelay $0x1  }
0x9a: {  	s5 =	simm.s32 $_scs_section_size  }
0x9b: {  	s6 =	simm.s32 $_size__tile_overlayer_lowered;
	s7 =	simm.s32 $_tile_overlayer_lowered  }
0x9c: {  	s22 =	simm.s32 $0x1BFF;
	s21 =	sshll.u32 s7, $0x1;
	s4 =	sadd.s32 s5, s19  }
0x9d: {  	s8 =	simm.s32 $0x0;
	s20 =	sshll.u32 s6, $0x1;
	s6 =	sadd.s32 s21, s4  }
0x9e: {  	[timem:s8], [sflag:s22] =	dma.local [hbm:s6], s20  }
0x9f: {  	_ =	swait.ge [sflag:s22], s20  }
0xa0: {  	s5 =	ssub.s32 $0x0, s20;
	[sflag:s22] =	ssyncset.done $0x0  }
0xa1: {  	[sflag:s22] =	ssyncadd.s32 s5;
	_ =	sdelay $0x1  }
0xa2: {  	s23 =	simm.s32 $0x1B8B  }
0xa3: {  	_ =	swait.ge [sflag:s23], $0x1  }
0xa4: {  	[sflag:s23] =	ssyncset.done $0x0  }
0xa5: {  	s25 =	simm.s32 $0x1B8E;
	s24 =	sld [smem:$0x3FFE];
	[sflag:s23] =	ssyncadd.s32 $0xFFFFFFFF  }
0xa6: {  	s26 =	simm.s32 $execute0_lowered;
	[smem:$0x3FD2] =	sst s25  }
0xa7: {  	s6 =	sshll.u32 s26, $0x1;
	_ =	strace $0x80000046;
	[dreg:$0x1] =	wrdreg $0xFFFFFFFF  }
0xa8: {  	s28 =	simm.s32 $_size_execute0_lowered;
	s4 =	sadd.s32 s4, s6;
	[dreg:$0x0] =	wrdreg $0x0  }
0xa9: {  	s6 =	sshll.u32 s28, $0x1;
	[dreg:$0x2] =	wrdreg s4  }
0xaa: {  	[dreg:$0x3] =	wrdreg s6  }
0xab: {  	[dreg:$0x4] =	wrdreg $0xC0  }
0xac: {  	_ =	task [dreg:s8], $0x5FFFF  }
0xad: {  	[dreg:$0x1] =	wrdreg $0xFFFFFFFF  }
0xae: {  	[dreg:$0x0] =	wrdreg $0x60  }
0xaf: {  	[dreg:$0x2] =	wrdreg s24  }
0xb0: {  	[dreg:$0x3] =	wrdreg s2  }
0xb1: {  	[dreg:$0x4] =	wrdreg s18  }
0xb2: {  	[dreg:$0x5] =	wrdreg $0x9  }
0xb3: {  	_ =	task.clear_ibuf [dreg:s8], $0x6FFFF;
	_ =	strace $0x90000046  }
0xb4: {  	s29 =	simm.s32 $0x9;
	_ =	strace $0x80000048  }
0xb5: {  	_ =	swait.ge [sflag:s29], $0x1  }
0xb6: {  	[sflag:s29] =	ssyncadd.s32 $0xFFFFFFFF  }
0xb7: {  	_ =	strace $0x90000048  }
0xb8: {  	_ =	sfence  }
0xb9: {  	s30 =	sld [smem:$0x0];
	_ =	sdelay $0x2  }
0xba: {  	s31 =	sshll.u32 s1, $0xD;
	s1 =	sshrl.u32 s1, $0x2  }
0xbb: {  	s3 =	sand.u32 $0x4000, s31;
	s1 =	sadd.s32 s1, s30  }
0xbc: {  	s0 =	sor.u32 s3, s0;
	s1 =	sshll.u32 s1, $0x11  }
0xbd: {  	s0 =	sor.u32 s1, s0  }
0xbe: {  	s0 =	sadd.s32 $0x8F2B, s0  }
0xbf: {  	[sflag:s0] =	ssyncadd.remote.s32 $0x1  }
0xc0: {  	_ =	sfence.sel $0xFFFF  }
0xc1: {  	[dreg:$0x0] =	wrdreg $0xFFFFFFFF;
	(pc) =	sbr.abs _section_cstart, $3  }
0xc2: {  	[dreg:$0x1] =	wrdreg $0xFFFFFFFF  }
0xc3: {  	_ =	task.clear_ibuf [dreg:s8], $0x2FFFF;
	_ =	strace $0x9FFFFFFF  }
0xc4: {  	(tm) =	ssettm $0x7FFFFFFF  }
0xc5: {  	_ =	shalt  }
tec
execute0_lowered:
.L_overlay_start_1:
0x0: {  	(tag) =	ssettag $0x1  }
0x1: {  	s0 =	rddreg [dreg:$0x0]  }
0x2: {  	s1 =	rddreg [dreg:$0x1]  }
0x3: {  	s2 =	rddreg [dreg:$0x2];
	s3 =	simm.s32 $0x0  }
0x4: {  	s4 =	srdreg.scid;
	s7 =	stileid.u32;
	s14 =	simm.s32 $0x2800  }
0x5: {  	s13 =	simm.s32 $0x3000;
	s15 =	simm.s32 $0x3800;
	s31 =	simm.s32 $0x4000  }
0x6: {  	s17 =	simm.s32 $0x4800;
	s18 =	simm.s32 $0x5000;
	s19 =	simm.s32 $0x5800  }
0x7: {  	s20 =	simm.s32 $0x6000;
	s21 =	simm.s32 $0x6800;
	s28 =	simm.s32 $0x9800  }
0x8: {  	s29 =	simm.s32 $0xA000;
	s30 =	simm.s32 $0xA800;
	s11 =	simm.s32 $0xC000  }
0x9: {  	s16 =	simm.s32 $0xE000;
	s9 =	simm.s32 $0x3;
	s10 =	simm.s32 $0x4  }
0xa: {  	s12 =	simm.s32 $0x0;
	[smem:$0x7FF] =	sst s3;
	s4 =	sand.u32 $0x1, s4  }
0xb: {  	s5 =	sshll.u32 s7, $0x1;
	s7 =	sshll.u32 s7, $0xD;
	_ =	strace $0x80000047  }
0xc: {  	s5 =	sor.u32 s4, s5;
	s8 =	sshll.u32 s4, $0xC;
	s4 =	ssub.s32 $0x2, s4  }
0xd: {  	[dreg:$0x9] =	wrdreg s12;
	s6 =	sshll.u32 s5, $0xA;
	s5 =	smul.u32 $0x300000, s5  }
0xe: {  	s7 =	sor.u32 s8, s7;
	s22 =	sshrl.u32 s4, $0x1;
	s8 =	simm.s32 $0x2000  }
0xf: {  	s0 =	sadd.s32 s6, s0;
	s7 =	sshrl.u32 s7, $0x3;
	s4 =	ssub.s32 s4, s22  }
0x10: {  	s6 =	sadd.s32 $0x200, s1;
	s22 =	simm.s32 $0x7000;
	s23 =	sshrl.u32 s5, $0x3  }
0x11: {  	s7 =	smul.u32 $0x300, s7;
	s0 =	sadd.s32 $0x400, s0;
	s5 =	sadd.s32 $0x100, s1  }
0x12: {  	s26 =	smax.u32 s4, $0x1;
	[dreg:$0x5] =	wrdreg s0;
	s24 =	sadd.s32 s2, s23  }
0x13: {  	s4 =	simm.s32 $0x1;
	[dreg:$0x8] =	wrdreg s26;
	s25 =	sadd.s32 $0x5D000, s24  }
0x14: {  	s23 =	simm.s32 $0x7800;
	s0 =	sadd.s32 $0x5E800, s24;
	[dreg:$0x6] =	wrdreg s25  }
0x15: {  	v2 =	vlaneseq.u32;
	s26 =	simm.s32 $0x9000;
	s2 =	sadd.s32 s7, s2;
	[dreg:$0x7] =	wrdreg s0  }
0x16: {  	vm0 =	vmmov $0xffff;
	v1 =	vshrl.u32 v2, $0x3;
	s24 =	simm.s32 $0x8000;
	s7 =	simm.s32 $0x2;
	[dreg:$0x4] =	wrdreg s2  }
0x17: {  	v0 =	vand.u32 $0x7, v2;
	v2 =	vor.u32 $0x8, v2;
	v1 =	vmul.u32 $0x8, v1;
	s25 =	simm.s32 $0x8800;
	s0 =	simm.s32 $0xB000;
	s2 =	simm.s32 $0xB800  }
.LBB2_1:
0x18: {  	s12 =	rddreg [dreg:$0x5]  }
0x19: {  	[tilespmem:s3], [sflag:$0x5] =	stream.linear.gather [hbm4b:s12+s3], $0x2000, $0x38;
	[tilespmem:$0x1A000] =	vst v63  }
0x1a: {  	s12 =	simm.s32 $0x5  }
0x1b: {  	_ =	swait.ge [sflag:s12], $0x2000  }
0x1c: {  	[sflag:s12] =	ssyncset.done $0x0  }
0x1d: {  	[sflag:s12] =	ssyncadd.s32 $0xFFFFE000  }
0x1e: {  	v3 =	vld [tilespmem:$0x0];
	_ =	sdelay $0x4  }
0x1f: {  	v4 =	vshrl.u32 v3, $0x3  }
0x20: {  	v4 =	vmul.u32 $0x30, v4  }
0x21: {  	v3 =	vand.u32 $0x7, v3  }
0x22: {  	v3 =	vor.u32 v3, v4  }
0x23: {  	v4 =	vperm.xlane v3, v0;
	_ =	sdelay $0x1  }
0x24: {  	v4 =	vadd.s32 v1, v4;
	_ =	sdelay $0x3  }
0x25: {  	v3 =	vperm.xlane v3, v2  }
0x26: {  	[tilespmem:s8], [sflag:$0x1] =	stream.indirect_vreg.gather [hbm4b:s1+s3], $0x80, v4, vm0, $0xb8;
	[tilespmem:$0x1A000] =	vst v63  }
0x27: {  	v3 =	vadd.s32 v1, v3  }
0x28: {  	[tilespmem:s14], [sflag:$0x1] =	stream.indirect_vreg.gather [hbm4b:s5+s3], $0x80, v4, vm0, $0xb8;
	[tilespmem:$0x1A000] =	vst v63  }
0x29: {  	_ = 	snop  }
0x2a: {  	[tilespmem:s13], [sflag:$0x1] =	stream.indirect_vreg.gather [hbm4b:s6+s3], $0x80, v4, vm0, $0xb8;
	[tilespmem:$0x1A000] =	vst v63  }
0x2b: {  	_ = 	snop  }
0x2c: {  	[tilespmem:s15], [sflag:$0x1] =	stream.indirect_vreg.gather [hbm4b:s1+s3], $0x80, v3, vm0, $0xb8;
	[tilespmem:$0x1A000] =	vst v63  }
0x2d: {  	_ = 	snop  }
0x2e: {  	[tilespmem:s31], [sflag:$0x1] =	stream.indirect_vreg.gather [hbm4b:s5+s3], $0x80, v3, vm0, $0xb8;
	[tilespmem:$0x1A000] =	vst v63  }
0x2f: {  	_ = 	snop  }
0x30: {  	[tilespmem:s17], [sflag:$0x1] =	stream.indirect_vreg.gather [hbm4b:s6+s3], $0x80, v3, vm0, $0xb8;
	[tilespmem:$0x1A000] =	vst v63  }
0x31: {  	v3 =	vld [tilespmem:$0x10];
	_ =	sdelay $0x4  }
0x32: {  	v57 =	vshrl.u32 v3, $0x3  }
0x33: {  	v4 =	vmul.u32 $0x30, v57  }
0x34: {  	v3 =	vand.u32 $0x7, v3  }
0x35: {  	v3 =	vor.u32 v3, v4  }
0x36: {  	v4 =	vperm.xlane v3, v0;
	_ =	sdelay $0x1  }
0x37: {  	v4 =	vadd.s32 v1, v4;
	_ =	sdelay $0x3  }
0x38: {  	v3 =	vperm.xlane v3, v2  }
0x39: {  	[tilespmem:s18], [sflag:$0x1] =	stream.indirect_vreg.gather [hbm4b:s1+s3], $0x80, v4, vm0, $0xb8;
	[tilespmem:$0x1A000] =	vst v63  }
0x3a: {  	v3 =	vadd.s32 v1, v3  }
0x3b: {  	[tilespmem:s19], [sflag:$0x1] =	stream.indirect_vreg.gather [hbm4b:s5+s3], $0x80, v4, vm0, $0xb8;
	[tilespmem:$0x1A000] =	vst v63  }
0x3c: {  	_ = 	snop  }
0x3d: {  	[tilespmem:s20], [sflag:$0x1] =	stream.indirect_vreg.gather [hbm4b:s6+s3], $0x80, v4, vm0, $0xb8;
	[tilespmem:$0x1A000] =	vst v63  }
0x3e: {  	_ = 	snop  }
0x3f: {  	[tilespmem:s21], [sflag:$0x1] =	stream.indirect_vreg.gather [hbm4b:s1+s3], $0x80, v3, vm0, $0xb8;
	[tilespmem:$0x1A000] =	vst v63  }
0x40: {  	_ = 	snop  }
0x41: {  	[tilespmem:s22], [sflag:$0x1] =	stream.indirect_vreg.gather [hbm4b:s5+s3], $0x80, v3, vm0, $0xb8;
	[tilespmem:$0x1A000] =	vst v63  }
0x42: {  	_ = 	snop  }
0x43: {  	[tilespmem:s23], [sflag:$0x1] =	stream.indirect_vreg.gather [hbm4b:s6+s3], $0x80, v3, vm0, $0xb8;
	[tilespmem:$0x1A000] =	vst v63  }
0x44: {  	v3 =	vld [tilespmem:$0x20];
	_ =	sdelay $0x4  }
0x45: {  	v58 =	vshrl.u32 v3, $0x3  }
0x46: {  	v4 =	vmul.u32 $0x30, v58  }
0x47: {  	v3 =	vand.u32 $0x7, v3  }
0x48: {  	v3 =	vor.u32 v3, v4  }
0x49: {  	v4 =	vperm.xlane v3, v0;
	_ =	sdelay $0x1  }
0x4a: {  	v4 =	vadd.s32 v1, v4;
	_ =	sdelay $0x3  }
0x4b: {  	v3 =	vperm.xlane v3, v2  }
0x4c: {  	[tilespmem:s24], [sflag:$0x1] =	stream.indirect_vreg.gather [hbm4b:s1+s3], $0x80, v4, vm0, $0xb8;
	[tilespmem:$0x1A000] =	vst v63  }
0x4d: {  	v3 =	vadd.s32 v1, v3  }
0x4e: {  	[tilespmem:s25], [sflag:$0x1] =	stream.indirect_vreg.gather [hbm4b:s5+s3], $0x80, v4, vm0, $0xb8;
	[tilespmem:$0x1A000] =	vst v63  }
0x4f: {  	_ = 	snop  }
0x50: {  	[tilespmem:s26], [sflag:$0x1] =	stream.indirect_vreg.gather [hbm4b:s6+s3], $0x80, v4, vm0, $0xb8;
	[tilespmem:$0x1A000] =	vst v63  }
0x51: {  	_ = 	snop  }
0x52: {  	[tilespmem:s28], [sflag:$0x1] =	stream.indirect_vreg.gather [hbm4b:s1+s3], $0x80, v3, vm0, $0xb8;
	[tilespmem:$0x1A000] =	vst v63  }
0x53: {  	_ = 	snop  }
0x54: {  	[tilespmem:s29], [sflag:$0x1] =	stream.indirect_vreg.gather [hbm4b:s5+s3], $0x80, v3, vm0, $0xb8;
	[tilespmem:$0x1A000] =	vst v63  }
0x55: {  	_ = 	snop  }
0x56: {  	[tilespmem:s30], [sflag:$0x1] =	stream.indirect_vreg.gather [hbm4b:s6+s3], $0x80, v3, vm0, $0xb8;
	[tilespmem:$0x1A000] =	vst v63  }
0x57: {  	v3 =	vld [tilespmem:$0x30];
	_ =	sdelay $0x4  }
0x58: {  	v59 =	vshrl.u32 v3, $0x3  }
0x59: {  	v4 =	vmul.u32 $0x30, v59  }
0x5a: {  	v3 =	vand.u32 $0x7, v3  }
0x5b: {  	v3 =	vor.u32 v3, v4  }
0x5c: {  	v4 =	vperm.xlane v3, v0;
	_ =	sdelay $0x1  }
0x5d: {  	v4 =	vadd.s32 v1, v4;
	_ =	sdelay $0x3  }
0x5e: {  	v3 =	vperm.xlane v3, v2  }
0x5f: {  	[tilespmem:s0], [sflag:$0x1] =	stream.indirect_vreg.gather [hbm4b:s1+s3], $0x80, v4, vm0, $0xb8;
	[tilespmem:$0x1A000] =	vst v63  }
0x60: {  	v3 =	vadd.s32 v1, v3  }
0x61: {  	[tilespmem:s2], [sflag:$0x1] =	stream.indirect_vreg.gather [hbm4b:s5+s3], $0x80, v4, vm0, $0xb8;
	[tilespmem:$0x1A000] =	vst v63  }
0x62: {  	_ = 	snop  }
0x63: {  	[tilespmem:s11], [sflag:$0x1] =	stream.indirect_vreg.gather [hbm4b:s6+s3], $0x80, v4, vm0, $0xb8;
	[tilespmem:$0x1A000] =	vst v63  }
0x64: {  	s23 =	simm.s32 $0xC800  }
0x65: {  	[tilespmem:s23], [sflag:$0x1] =	stream.indirect_vreg.gather [hbm4b:s1+s3], $0x80, v3, vm0, $0xb8;
	[tilespmem:$0x1A000] =	vst v63  }
0x66: {  	s24 =	simm.s32 $0xD000  }
0x67: {  	[tilespmem:s24], [sflag:$0x1] =	stream.indirect_vreg.gather [hbm4b:s5+s3], $0x80, v3, vm0, $0xb8;
	[tilespmem:$0x1A000] =	vst v63  }
0x68: {  	s25 =	simm.s32 $0xD800  }
0x69: {  	[tilespmem:s25], [sflag:$0x1] =	stream.indirect_vreg.gather [hbm4b:s6+s3], $0x80, v3, vm0, $0xb8;
	[tilespmem:$0x1A000] =	vst v63  }
0x6a: {  	v3 =	vld [tilespmem:$0x80];
	_ =	sdelay $0x4  }
0x6b: {  	v60 =	vshrl.u32 v3, $0x3  }
0x6c: {  	v4 =	vmul.u32 $0x30, v60  }
0x6d: {  	v3 =	vand.u32 $0x7, v3  }
0x6e: {  	v3 =	vor.u32 v3, v4  }
0x6f: {  	v4 =	vperm.xlane v3, v0;
	_ =	sdelay $0x1  }
0x70: {  	v4 =	vadd.s32 v1, v4;
	_ =	sdelay $0x3  }
0x71: {  	v3 =	vperm.xlane v3, v2  }
0x72: {  	[tilespmem:s16], [sflag:$0x2] =	stream.indirect_vreg.gather [hbm4b:s1+s3], $0x80, v4, vm0, $0xb8;
	[tilespmem:$0x1A000] =	vst v63  }
0x73: {  	s26 =	simm.s32 $0xE800;
	v3 =	vadd.s32 v1, v3  }
0x74: {  	[tilespmem:s26], [sflag:$0x2] =	stream.indirect_vreg.gather [hbm4b:s5+s3], $0x80, v4, vm0, $0xb8;
	[tilespmem:$0x1A000] =	vst v63  }
0x75: {  	s2 =	simm.s32 $0xF000  }
0x76: {  	[tilespmem:s2], [sflag:$0x2] =	stream.indirect_vreg.gather [hbm4b:s6+s3], $0x80, v4, vm0, $0xb8;
	[tilespmem:$0x1A000] =	vst v63  }
0x77: {  	s8 =	simm.s32 $0xF800  }
0x78: {  	[tilespmem:s8], [sflag:$0x2] =	stream.indirect_vreg.gather [hbm4b:s1+s3], $0x80, v3, vm0, $0xb8;
	[tilespmem:$0x1A000] =	vst v63  }
0x79: {  	s11 =	simm.s32 $0x10000  }
0x7a: {  	[tilespmem:s11], [sflag:$0x2] =	stream.indirect_vreg.gather [hbm4b:s5+s3], $0x80, v3, vm0, $0xb8;
	[tilespmem:$0x1A000] =	vst v63  }
0x7b: {  	s12 =	simm.s32 $0x10800  }
0x7c: {  	[tilespmem:s12], [sflag:$0x2] =	stream.indirect_vreg.gather [hbm4b:s6+s3], $0x80, v3, vm0, $0xb8;
	[tilespmem:$0x1A000] =	vst v63  }
0x7d: {  	v3 =	vld [tilespmem:$0x90];
	_ =	sdelay $0x4  }
0x7e: {  	v61 =	vshrl.u32 v3, $0x3  }
0x7f: {  	v4 =	vmul.u32 $0x30, v61  }
0x80: {  	v3 =	vand.u32 $0x7, v3  }
0x81: {  	v3 =	vor.u32 v3, v4  }
0x82: {  	v4 =	vperm.xlane v3, v0;
	_ =	sdelay $0x1  }
0x83: {  	v4 =	vadd.s32 v1, v4;
	_ =	sdelay $0x3  }
0x84: {  	s13 =	simm.s32 $0x11000;
	v3 =	vperm.xlane v3, v2  }
0x85: {  	[tilespmem:s13], [sflag:$0x2] =	stream.indirect_vreg.gather [hbm4b:s1+s3], $0x80, v4, vm0, $0xb8;
	[tilespmem:$0x1A000] =	vst v63  }
0x86: {  	s14 =	simm.s32 $0x11800;
	v3 =	vadd.s32 v1, v3  }
0x87: {  	[tilespmem:s14], [sflag:$0x2] =	stream.indirect_vreg.gather [hbm4b:s5+s3], $0x80, v4, vm0, $0xb8;
	[tilespmem:$0x1A000] =	vst v63  }
0x88: {  	s15 =	simm.s32 $0x12000  }
0x89: {  	[tilespmem:s15], [sflag:$0x2] =	stream.indirect_vreg.gather [hbm4b:s6+s3], $0x80, v4, vm0, $0xb8;
	[tilespmem:$0x1A000] =	vst v63  }
0x8a: {  	s16 =	simm.s32 $0x12800  }
0x8b: {  	[tilespmem:s16], [sflag:$0x2] =	stream.indirect_vreg.gather [hbm4b:s1+s3], $0x80, v3, vm0, $0xb8;
	[tilespmem:$0x1A000] =	vst v63  }
0x8c: {  	s17 =	simm.s32 $0x13000  }
0x8d: {  	[tilespmem:s17], [sflag:$0x2] =	stream.indirect_vreg.gather [hbm4b:s5+s3], $0x80, v3, vm0, $0xb8;
	[tilespmem:$0x1A000] =	vst v63  }
0x8e: {  	s18 =	simm.s32 $0x13800  }
0x8f: {  	[tilespmem:s18], [sflag:$0x2] =	stream.indirect_vreg.gather [hbm4b:s6+s3], $0x80, v3, vm0, $0xb8;
	[tilespmem:$0x1A000] =	vst v63  }
0x90: {  	v3 =	vld [tilespmem:$0xA0];
	_ =	sdelay $0x4  }
0x91: {  	v62 =	vshrl.u32 v3, $0x3  }
0x92: {  	v4 =	vmul.u32 $0x30, v62  }
0x93: {  	v3 =	vand.u32 $0x7, v3  }
0x94: {  	v3 =	vor.u32 v3, v4  }
0x95: {  	v4 =	vperm.xlane v3, v0;
	_ =	sdelay $0x1  }
0x96: {  	v4 =	vadd.s32 v1, v4;
	_ =	sdelay $0x3  }
0x97: {  	s19 =	simm.s32 $0x14000;
	v3 =	vperm.xlane v3, v2  }
0x98: {  	[tilespmem:s19], [sflag:$0x2] =	stream.indirect_vreg.gather [hbm4b:s1+s3], $0x80, v4, vm0, $0xb8;
	[tilespmem:$0x1A000] =	vst v63  }
0x99: {  	s20 =	simm.s32 $0x14800;
	v3 =	vadd.s32 v1, v3  }
0x9a: {  	[tilespmem:s20], [sflag:$0x2] =	stream.indirect_vreg.gather [hbm4b:s5+s3], $0x80, v4, vm0, $0xb8;
	[tilespmem:$0x1A000] =	vst v63  }
0x9b: {  	s21 =	simm.s32 $0x15000  }
0x9c: {  	[tilespmem:s21], [sflag:$0x2] =	stream.indirect_vreg.gather [hbm4b:s6+s3], $0x80, v4, vm0, $0xb8;
	[tilespmem:$0x1A000] =	vst v63  }
0x9d: {  	s22 =	simm.s32 $0x15800  }
0x9e: {  	[tilespmem:s22], [sflag:$0x2] =	stream.indirect_vreg.gather [hbm4b:s1+s3], $0x80, v3, vm0, $0xb8;
	[tilespmem:$0x1A000] =	vst v63  }
0x9f: {  	s23 =	simm.s32 $0x16000  }
0xa0: {  	[tilespmem:s23], [sflag:$0x2] =	stream.indirect_vreg.gather [hbm4b:s5+s3], $0x80, v3, vm0, $0xb8;
	[tilespmem:$0x1A000] =	vst v63  }
0xa1: {  	s24 =	simm.s32 $0x16800  }
0xa2: {  	[tilespmem:s24], [sflag:$0x2] =	stream.indirect_vreg.gather [hbm4b:s6+s3], $0x80, v3, vm0, $0xb8;
	[tilespmem:$0x1A000] =	vst v63  }
0xa3: {  	v3 =	vld [tilespmem:$0xB0];
	_ =	sdelay $0x4  }
0xa4: {  	v63 =	vshrl.u32 v3, $0x3  }
0xa5: {  	v4 =	vmul.u32 $0x30, v63  }
0xa6: {  	v3 =	vand.u32 $0x7, v3  }
0xa7: {  	v3 =	vor.u32 v3, v4  }
0xa8: {  	v4 =	vperm.xlane v3, v0;
	_ =	sdelay $0x1  }
0xa9: {  	v4 =	vadd.s32 v1, v4;
	_ =	sdelay $0x2  }
0xaa: {  	s31 =	simm.s32 $0xA800;
	s28 =	simm.s32 $0x9000;
	s29 =	simm.s32 $0x9800  }
0xab: {  	s30 =	simm.s32 $0xA000;
	s0 =	simm.s32 $0xB000;
	s25 =	simm.s32 $0x17000;
	v3 =	vperm.xlane v3, v2  }
0xac: {  	[tilespmem:s25], [sflag:$0x2] =	stream.indirect_vreg.gather [hbm4b:s1+s3], $0x80, v4, vm0, $0xb8;
	[tilespmem:$0x1A000] =	vst v63  }
0xad: {  	s26 =	simm.s32 $0x17800;
	s2 =	simm.s32 $0xB800;
	s11 =	simm.s32 $0xC000;
	v3 =	vadd.s32 v1, v3  }
0xae: {  	[tilespmem:s26], [sflag:$0x2] =	stream.indirect_vreg.gather [hbm4b:s5+s3], $0x80, v4, vm0, $0xb8;
	[tilespmem:$0x1A000] =	vst v63  }
0xaf: {  	s12 =	simm.s32 $0x1B0;
	s13 =	simm.s32 $0x0;
	s20 =	simm.s32 $0x18000  }
0xb0: {  	[tilespmem:s20], [sflag:$0x2] =	stream.indirect_vreg.gather [hbm4b:s6+s3], $0x80, v4, vm0, $0xb8;
	[tilespmem:$0x1A000] =	vst v63  }
0xb1: {  	s15 =	simm.s32 $0x3000;
	s17 =	simm.s32 $0x4000;
	s22 =	simm.s32 $0x18800  }
0xb2: {  	[tilespmem:s22], [sflag:$0x2] =	stream.indirect_vreg.gather [hbm4b:s1+s3], $0x80, v3, vm0, $0xb8;
	[tilespmem:$0x1A000] =	vst v63  }
0xb3: {  	s19 =	simm.s32 $0x5000;
	s21 =	simm.s32 $0x6000;
	s24 =	simm.s32 $0x19000  }
0xb4: {  	[tilespmem:s24], [sflag:$0x2] =	stream.indirect_vreg.gather [hbm4b:s5+s3], $0x80, v3, vm0, $0xb8;
	[tilespmem:$0x1A000] =	vst v63  }
0xb5: {  	s23 =	simm.s32 $0x7000;
	s25 =	simm.s32 $0x8000;
	s26 =	simm.s32 $0x19800  }
0xb6: {  	[tilespmem:s26], [sflag:$0x2] =	stream.indirect_vreg.gather [hbm4b:s6+s3], $0x80, v3, vm0, $0xb8;
	[tilespmem:$0x1A000] =	vst v63  }
.LBB2_2:
0xb7: {  	_ =	swait.ge [sflag:s4], $0xC000  }
0xb8: {  	s14 =	rddreg [dreg:$0x4];
	[sflag:s4] =	ssyncset.done $0x0  }
0xb9: {  	s16 =	simm.s32 $0x2000;
	[sflag:s4] =	ssyncadd.s32 $0xFFFF4000;
	s14 =	sadd.s32 s13, s14  }
0xba: {  	[hbm4b:s14+s3] =	stream.linear.scatter [tilespmem:s16], [sflag:$0x3], $0xC000, $0x38;
	[tilespmem:$0x1A000] =	vst v63  }
0xbb: {  	_ =	swait.ge [sflag:s7], $0xC000  }
0xbc: {  	[sflag:s7] =	ssyncset.done $0x0  }
0xbd: {  	s18 =	simm.s32 $0xE000;
	s14 =	sadd.s32 $0x1800, s14;
	[sflag:s7] =	ssyncadd.s32 $0xFFFF4000  }
0xbe: {  	[hbm4b:s14+s3] =	stream.linear.scatter [tilespmem:s18], [sflag:$0x4], $0xC000, $0x38;
	[tilespmem:$0x1A000] =	vst v63  }
0xbf: {  	_ =	swait.ge [sflag:s9], $0xC000  }
0xc0: {  	[sflag:s9] =	ssyncset.done $0x0  }
0xc1: {  	[sflag:s9] =	ssyncadd.s32 $0xFFFF4000  }
0xc2: {  	v3 =	vld [tilespmem:s12+$0xFFFFFF50];
	_ =	sdelay $0x4  }
0xc3: {  	v4 =	vshrl.u32 v3, $0x3  }
0xc4: {  	v4 =	vmul.u32 $0x30, v4  }
0xc5: {  	v3 =	vand.u32 $0x7, v3  }
0xc6: {  	v3 =	vor.u32 v3, v4  }
0xc7: {  	v4 =	vperm.xlane v3, v0;
	_ =	sdelay $0x1  }
0xc8: {  	v4 =	vadd.s32 v1, v4;
	_ =	sdelay $0x3  }
0xc9: {  	v3 =	vperm.xlane v3, v2  }
0xca: {  	[tilespmem:s16], [sflag:$0x1] =	stream.indirect_vreg.gather [hbm4b:s1+s3], $0x80, v4, vm0, $0xb8;
	[tilespmem:$0x1A000] =	vst v63  }
0xcb: {  	s14 =	simm.s32 $0x2800;
	v3 =	vadd.s32 v1, v3  }
0xcc: {  	[tilespmem:s14], [sflag:$0x1] =	stream.indirect_vreg.gather [hbm4b:s5+s3], $0x80, v4, vm0, $0xb8;
	[tilespmem:$0x1A000] =	vst v63  }
0xcd: {  	_ = 	snop  }
0xce: {  	[tilespmem:s15], [sflag:$0x1] =	stream.indirect_vreg.gather [hbm4b:s6+s3], $0x80, v4, vm0, $0xb8;
	[tilespmem:$0x1A000] =	vst v63  }
0xcf: {  	s16 =	simm.s32 $0x3800  }
0xd0: {  	[tilespmem:s16], [sflag:$0x1] =	stream.indirect_vreg.gather [hbm4b:s1+s3], $0x80, v3, vm0, $0xb8;
	[tilespmem:$0x1A000] =	vst v63  }
0xd1: {  	_ = 	snop  }
0xd2: {  	[tilespmem:s17], [sflag:$0x1] =	stream.indirect_vreg.gather [hbm4b:s5+s3], $0x80, v3, vm0, $0xb8;
	[tilespmem:$0x1A000] =	vst v63  }
0xd3: {  	s16 =	simm.s32 $0x4800  }
0xd4: {  	[tilespmem:s16], [sflag:$0x1] =	stream.indirect_vreg.gather [hbm4b:s6+s3], $0x80, v3, vm0, $0xb8;
	[tilespmem:$0x1A000] =	vst v63  }
0xd5: {  	v3 =	vld [tilespmem:s12+$0xFFFFFF60];
	_ =	sdelay $0x4  }
0xd6: {  	v57 =	vshrl.u32 v3, $0x3  }
0xd7: {  	v4 =	vmul.u32 $0x30, v57  }
0xd8: {  	v3 =	vand.u32 $0x7, v3  }
0xd9: {  	v3 =	vor.u32 v3, v4  }
0xda: {  	v4 =	vperm.xlane v3, v0;
	_ =	sdelay $0x1  }
0xdb: {  	v4 =	vadd.s32 v1, v4;
	_ =	sdelay $0x3  }
0xdc: {  	v3 =	vperm.xlane v3, v2  }
0xdd: {  	[tilespmem:s19], [sflag:$0x1] =	stream.indirect_vreg.gather [hbm4b:s1+s3], $0x80, v4, vm0, $0xb8;
	[tilespmem:$0x1A000] =	vst v63  }
0xde: {  	s16 =	simm.s32 $0x5800;
	v3 =	vadd.s32 v1, v3  }
0xdf: {  	[tilespmem:s16], [sflag:$0x1] =	stream.indirect_vreg.gather [hbm4b:s5+s3], $0x80, v4, vm0, $0xb8;
	[tilespmem:$0x1A000] =	vst v63  }
0xe0: {  	_ = 	snop  }
0xe1: {  	[tilespmem:s21], [sflag:$0x1] =	stream.indirect_vreg.gather [hbm4b:s6+s3], $0x80, v4, vm0, $0xb8;
	[tilespmem:$0x1A000] =	vst v63  }
0xe2: {  	s16 =	simm.s32 $0x6800  }
0xe3: {  	[tilespmem:s16], [sflag:$0x1] =	stream.indirect_vreg.gather [hbm4b:s1+s3], $0x80, v3, vm0, $0xb8;
	[tilespmem:$0x1A000] =	vst v63  }
0xe4: {  	_ = 	snop  }
0xe5: {  	[tilespmem:s23], [sflag:$0x1] =	stream.indirect_vreg.gather [hbm4b:s5+s3], $0x80, v3, vm0, $0xb8;
	[tilespmem:$0x1A000] =	vst v63  }
0xe6: {  	s16 =	simm.s32 $0x7800  }
0xe7: {  	[tilespmem:s16], [sflag:$0x1] =	stream.indirect_vreg.gather [hbm4b:s6+s3], $0x80, v3, vm0, $0xb8;
	[tilespmem:$0x1A000] =	vst v63  }
0xe8: {  	v3 =	vld [tilespmem:s12+$0xFFFFFF70];
	_ =	sdelay $0x4  }
0xe9: {  	v58 =	vshrl.u32 v3, $0x3  }
0xea: {  	v4 =	vmul.u32 $0x30, v58  }
0xeb: {  	v3 =	vand.u32 $0x7, v3  }
0xec: {  	v3 =	vor.u32 v3, v4  }
0xed: {  	v4 =	vperm.xlane v3, v0;
	_ =	sdelay $0x1  }
0xee: {  	v4 =	vadd.s32 v1, v4;
	_ =	sdelay $0x3  }
0xef: {  	v3 =	vperm.xlane v3, v2  }
0xf0: {  	[tilespmem:s25], [sflag:$0x1] =	stream.indirect_vreg.gather [hbm4b:s1+s3], $0x80, v4, vm0, $0xb8;
	[tilespmem:$0x1A000] =	vst v63  }
0xf1: {  	s16 =	simm.s32 $0x8800;
	v3 =	vadd.s32 v1, v3  }
0xf2: {  	[tilespmem:s16], [sflag:$0x1] =	stream.indirect_vreg.gather [hbm4b:s5+s3], $0x80, v4, vm0, $0xb8;
	[tilespmem:$0x1A000] =	vst v63  }
0xf3: {  	_ = 	snop  }
0xf4: {  	[tilespmem:s28], [sflag:$0x1] =	stream.indirect_vreg.gather [hbm4b:s6+s3], $0x80, v4, vm0, $0xb8;
	[tilespmem:$0x1A000] =	vst v63  }
0xf5: {  	_ = 	snop  }
0xf6: {  	[tilespmem:s29], [sflag:$0x1] =	stream.indirect_vreg.gather [hbm4b:s1+s3], $0x80, v3, vm0, $0xb8;
	[tilespmem:$0x1A000] =	vst v63  }
0xf7: {  	_ = 	snop  }
0xf8: {  	[tilespmem:s30], [sflag:$0x1] =	stream.indirect_vreg.gather [hbm4b:s5+s3], $0x80, v3, vm0, $0xb8;
	[tilespmem:$0x1A000] =	vst v63  }
0xf9: {  	_ = 	snop  }
0xfa: {  	[tilespmem:s31], [sflag:$0x1] =	stream.indirect_vreg.gather [hbm4b:s6+s3], $0x80, v3, vm0, $0xb8;
	[tilespmem:$0x1A000] =	vst v63  }
0xfb: {  	v3 =	vld [tilespmem:s12+$0xFFFFFF80];
	_ =	sdelay $0x4  }
0xfc: {  	v59 =	vshrl.u32 v3, $0x3  }
0xfd: {  	v4 =	vmul.u32 $0x30, v59  }
0xfe: {  	v3 =	vand.u32 $0x7, v3  }
0xff: {  	v3 =	vor.u32 v3, v4  }
0x100: {  	v4 =	vperm.xlane v3, v0;
	_ =	sdelay $0x1  }
0x101: {  	v4 =	vadd.s32 v1, v4;
	_ =	sdelay $0x3  }
0x102: {  	v3 =	vperm.xlane v3, v2  }
0x103: {  	[tilespmem:s0], [sflag:$0x1] =	stream.indirect_vreg.gather [hbm4b:s1+s3], $0x80, v4, vm0, $0xb8;
	[tilespmem:$0x1A000] =	vst v63  }
0x104: {  	v3 =	vadd.s32 v1, v3  }
0x105: {  	[tilespmem:s2], [sflag:$0x1] =	stream.indirect_vreg.gather [hbm4b:s5+s3], $0x80, v4, vm0, $0xb8;
	[tilespmem:$0x1A000] =	vst v63  }
0x106: {  	_ = 	snop  }
0x107: {  	[tilespmem:s11], [sflag:$0x1] =	stream.indirect_vreg.gather [hbm4b:s6+s3], $0x80, v4, vm0, $0xb8;
	[tilespmem:$0x1A000] =	vst v63  }
0x108: {  	s16 =	simm.s32 $0xC800  }
0x109: {  	[tilespmem:s16], [sflag:$0x1] =	stream.indirect_vreg.gather [hbm4b:s1+s3], $0x80, v3, vm0, $0xb8;
	[tilespmem:$0x1A000] =	vst v63  }
0x10a: {  	s16 =	simm.s32 $0xD000  }
0x10b: {  	[tilespmem:s16], [sflag:$0x1] =	stream.indirect_vreg.gather [hbm4b:s5+s3], $0x80, v3, vm0, $0xb8;
	[tilespmem:$0x1A000] =	vst v63  }
0x10c: {  	s16 =	simm.s32 $0xD800  }
0x10d: {  	[tilespmem:s16], [sflag:$0x1] =	stream.indirect_vreg.gather [hbm4b:s6+s3], $0x80, v3, vm0, $0xb8;
	[tilespmem:$0x1A000] =	vst v63  }
0x10e: {  	_ =	swait.ge [sflag:s10], $0xC000  }
0x10f: {  	[sflag:s10] =	ssyncset.done $0x0  }
0x110: {  	[sflag:s10] =	ssyncadd.s32 $0xFFFF4000  }
0x111: {  	v3 =	vld [tilespmem:s12+$0xFFFFFFD0];
	_ =	sdelay $0x4  }
0x112: {  	v60 =	vshrl.u32 v3, $0x3  }
0x113: {  	v4 =	vmul.u32 $0x30, v60  }
0x114: {  	v3 =	vand.u32 $0x7, v3  }
0x115: {  	v3 =	vor.u32 v3, v4  }
0x116: {  	v4 =	vperm.xlane v3, v0;
	_ =	sdelay $0x1  }
0x117: {  	v4 =	vadd.s32 v1, v4;
	_ =	sdelay $0x3  }
0x118: {  	v3 =	vperm.xlane v3, v2  }
0x119: {  	[tilespmem:s18], [sflag:$0x2] =	stream.indirect_vreg.gather [hbm4b:s1+s3], $0x80, v4, vm0, $0xb8;
	[tilespmem:$0x1A000] =	vst v63  }
0x11a: {  	v3 =	vadd.s32 v1, v3;
	s18 =	simm.s32 $0xE800  }
0x11b: {  	[tilespmem:s18], [sflag:$0x2] =	stream.indirect_vreg.gather [hbm4b:s5+s3], $0x80, v4, vm0, $0xb8;
	[tilespmem:$0x1A000] =	vst v63  }
0x11c: {  	s18 =	simm.s32 $0xF000  }
0x11d: {  	[tilespmem:s18], [sflag:$0x2] =	stream.indirect_vreg.gather [hbm4b:s6+s3], $0x80, v4, vm0, $0xb8;
	[tilespmem:$0x1A000] =	vst v63  }
0x11e: {  	s18 =	simm.s32 $0xF800  }
0x11f: {  	[tilespmem:s18], [sflag:$0x2] =	stream.indirect_vreg.gather [hbm4b:s1+s3], $0x80, v3, vm0, $0xb8;
	[tilespmem:$0x1A000] =	vst v63  }
0x120: {  	s18 =	simm.s32 $0x10000  }
0x121: {  	[tilespmem:s18], [sflag:$0x2] =	stream.indirect_vreg.gather [hbm4b:s5+s3], $0x80, v3, vm0, $0xb8;
	[tilespmem:$0x1A000] =	vst v63  }
0x122: {  	s18 =	simm.s32 $0x10800  }
0x123: {  	[tilespmem:s18], [sflag:$0x2] =	stream.indirect_vreg.gather [hbm4b:s6+s3], $0x80, v3, vm0, $0xb8;
	[tilespmem:$0x1A000] =	vst v63  }
0x124: {  	v3 =	vld [tilespmem:s12+$0xFFFFFFE0];
	_ =	sdelay $0x4  }
0x125: {  	v61 =	vshrl.u32 v3, $0x3  }
0x126: {  	v4 =	vmul.u32 $0x30, v61  }
0x127: {  	v3 =	vand.u32 $0x7, v3  }
0x128: {  	v3 =	vor.u32 v3, v4  }
0x129: {  	v4 =	vperm.xlane v3, v0;
	_ =	sdelay $0x1  }
0x12a: {  	v4 =	vadd.s32 v1, v4;
	_ =	sdelay $0x3  }
0x12b: {  	s18 =	simm.s32 $0x11000;
	v3 =	vperm.xlane v3, v2  }
0x12c: {  	[tilespmem:s18], [sflag:$0x2] =	stream.indirect_vreg.gather [hbm4b:s1+s3], $0x80, v4, vm0, $0xb8;
	[tilespmem:$0x1A000] =	vst v63  }
0x12d: {  	v3 =	vadd.s32 v1, v3;
	s18 =	simm.s32 $0x11800  }
0x12e: {  	[tilespmem:s18], [sflag:$0x2] =	stream.indirect_vreg.gather [hbm4b:s5+s3], $0x80, v4, vm0, $0xb8;
	[tilespmem:$0x1A000] =	vst v63  }
0x12f: {  	s18 =	simm.s32 $0x12000  }
0x130: {  	[tilespmem:s18], [sflag:$0x2] =	stream.indirect_vreg.gather [hbm4b:s6+s3], $0x80, v4, vm0, $0xb8;
	[tilespmem:$0x1A000] =	vst v63  }
0x131: {  	s18 =	simm.s32 $0x12800  }
0x132: {  	[tilespmem:s18], [sflag:$0x2] =	stream.indirect_vreg.gather [hbm4b:s1+s3], $0x80, v3, vm0, $0xb8;
	[tilespmem:$0x1A000] =	vst v63  }
0x133: {  	s18 =	simm.s32 $0x13000  }
0x134: {  	[tilespmem:s18], [sflag:$0x2] =	stream.indirect_vreg.gather [hbm4b:s5+s3], $0x80, v3, vm0, $0xb8;
	[tilespmem:$0x1A000] =	vst v63  }
0x135: {  	s18 =	simm.s32 $0x13800  }
0x136: {  	[tilespmem:s18], [sflag:$0x2] =	stream.indirect_vreg.gather [hbm4b:s6+s3], $0x80, v3, vm0, $0xb8;
	[tilespmem:$0x1A000] =	vst v63  }
0x137: {  	v3 =	vld [tilespmem:s12+$0xFFFFFFF0];
	_ =	sdelay $0x4  }
0x138: {  	v62 =	vshrl.u32 v3, $0x3  }
0x139: {  	v4 =	vmul.u32 $0x30, v62  }
0x13a: {  	v3 =	vand.u32 $0x7, v3  }
0x13b: {  	v3 =	vor.u32 v3, v4  }
0x13c: {  	v4 =	vperm.xlane v3, v0;
	_ =	sdelay $0x1  }
0x13d: {  	v4 =	vadd.s32 v1, v4;
	_ =	sdelay $0x3  }
0x13e: {  	s18 =	simm.s32 $0x14000;
	v3 =	vperm.xlane v3, v2  }
0x13f: {  	[tilespmem:s18], [sflag:$0x2] =	stream.indirect_vreg.gather [hbm4b:s1+s3], $0x80, v4, vm0, $0xb8;
	[tilespmem:$0x1A000] =	vst v63  }
0x140: {  	v3 =	vadd.s32 v1, v3;
	s18 =	simm.s32 $0x14800  }
0x141: {  	[tilespmem:s18], [sflag:$0x2] =	stream.indirect_vreg.gather [hbm4b:s5+s3], $0x80, v4, vm0, $0xb8;
	[tilespmem:$0x1A000] =	vst v63  }
0x142: {  	s18 =	simm.s32 $0x15000  }
0x143: {  	[tilespmem:s18], [sflag:$0x2] =	stream.indirect_vreg.gather [hbm4b:s6+s3], $0x80, v4, vm0, $0xb8;
	[tilespmem:$0x1A000] =	vst v63  }
0x144: {  	s18 =	simm.s32 $0x15800  }
0x145: {  	[tilespmem:s18], [sflag:$0x2] =	stream.indirect_vreg.gather [hbm4b:s1+s3], $0x80, v3, vm0, $0xb8;
	[tilespmem:$0x1A000] =	vst v63  }
0x146: {  	s18 =	simm.s32 $0x16000  }
0x147: {  	[tilespmem:s18], [sflag:$0x2] =	stream.indirect_vreg.gather [hbm4b:s5+s3], $0x80, v3, vm0, $0xb8;
	[tilespmem:$0x1A000] =	vst v63  }
0x148: {  	s18 =	simm.s32 $0x16800  }
0x149: {  	[tilespmem:s18], [sflag:$0x2] =	stream.indirect_vreg.gather [hbm4b:s6+s3], $0x80, v3, vm0, $0xb8;
	[tilespmem:$0x1A000] =	vst v63  }
0x14a: {  	v3 =	vld [tilespmem:s12+$0x0];
	_ =	sdelay $0x4  }
0x14b: {  	v63 =	vshrl.u32 v3, $0x3  }
0x14c: {  	v4 =	vmul.u32 $0x30, v63  }
0x14d: {  	v3 =	vand.u32 $0x7, v3  }
0x14e: {  	v3 =	vor.u32 v3, v4  }
0x14f: {  	v4 =	vperm.xlane v3, v0;
	_ =	sdelay $0x1  }
0x150: {  	v4 =	vadd.s32 v1, v4;
	_ =	sdelay $0x3  }
0x151: {  	s18 =	simm.s32 $0x17000;
	v3 =	vperm.xlane v3, v2  }
0x152: {  	[tilespmem:s18], [sflag:$0x2] =	stream.indirect_vreg.gather [hbm4b:s1+s3], $0x80, v4, vm0, $0xb8;
	[tilespmem:$0x1A000] =	vst v63  }
0x153: {  	v3 =	vadd.s32 v1, v3;
	s18 =	simm.s32 $0x17800  }
0x154: {  	[tilespmem:s18], [sflag:$0x2] =	stream.indirect_vreg.gather [hbm4b:s5+s3], $0x80, v4, vm0, $0xb8;
	[tilespmem:$0x1A000] =	vst v63  }
0x155: {  	_ = 	snop  }
0x156: {  	[tilespmem:s20], [sflag:$0x2] =	stream.indirect_vreg.gather [hbm4b:s6+s3], $0x80, v4, vm0, $0xb8;
	[tilespmem:$0x1A000] =	vst v63  }
0x157: {  	p0 =	sne.s32 s13, $0x5A000  }
0x158: {  	[tilespmem:s22], [sflag:$0x2] =	stream.indirect_vreg.gather [hbm4b:s1+s3], $0x80, v3, vm0, $0xb8;
	[tilespmem:$0x1A000] =	vst v63  }
.Ltmp0:
0x159: {  	_ = 	snop;
	(pc) =	sbr.rel @p0 .LBB2_2-.Ltmp0, $4  }
0x15a: {  	s8 =	simm.s32 $0x2000  }
0x15b: {  	[tilespmem:s24], [sflag:$0x2] =	stream.indirect_vreg.gather [hbm4b:s5+s3], $0x80, v3, vm0, $0xb8;
	[tilespmem:$0x1A000] =	vst v63  }
0x15c: {  	s13 =	sadd.s32 $0x3000, s13;
	s16 =	simm.s32 $0xE000;
	s12 =	sadd.s32 $0x100, s12  }
0x15d: {  	[tilespmem:s26], [sflag:$0x2] =	stream.indirect_vreg.gather [hbm4b:s6+s3], $0x80, v3, vm0, $0xb8;
	[tilespmem:$0x1A000] =	vst v63  }
0x15e: {  	_ =	swait.ge [sflag:s4], $0xC000  }
0x15f: {  	[sflag:s4] =	ssyncset.done $0x0  }
0x160: {  	s12 =	rddreg [dreg:$0x6];
	[sflag:s4] =	ssyncadd.s32 $0xFFFF4000  }
0x161: {  	[hbm4b:s12+s3] =	stream.linear.scatter [tilespmem:s8], [sflag:$0x3], $0xC000, $0x38;
	[tilespmem:$0x1A000] =	vst v63  }
0x162: {  	_ =	swait.ge [sflag:s7], $0xC000  }
0x163: {  	[sflag:s7] =	ssyncset.done $0x0  }
0x164: {  	s25 =	rddreg [dreg:$0x7];
	[sflag:s7] =	ssyncadd.s32 $0xFFFF4000  }
0x165: {  	[hbm4b:s25+s3] =	stream.linear.scatter [tilespmem:s16], [sflag:$0x4], $0xC000, $0x38;
	[tilespmem:$0x1A000] =	vst v63  }
0x166: {  	_ =	swait.ge [sflag:s9], $0xC000  }
0x167: {  	[sflag:s9] =	ssyncset.done $0x0  }
0x168: {  	s13 =	simm.s32 $0x3000;
	[sflag:s9] =	ssyncadd.s32 $0xFFFF4000  }
0x169: {  	s15 =	simm.s32 $0x3800;
	s31 =	simm.s32 $0x4000;
	_ =	swait.ge [sflag:s10], $0xC000  }
0x16a: {  	s17 =	simm.s32 $0x4800;
	s18 =	simm.s32 $0x5000;
	s0 =	rddreg [dreg:$0x9]  }
0x16b: {  	s19 =	simm.s32 $0x5800;
	s26 =	rddreg [dreg:$0x8];
	s0 =	sadd.s32 $0x1, s0  }
0x16c: {  	s20 =	simm.s32 $0x6000;
	s21 =	simm.s32 $0x6800;
	p0 =	sne.s32 s0, s26  }
.Ltmp1:
0x16d: {  	s22 =	simm.s32 $0x7000;
	s23 =	simm.s32 $0x7800;
	(pc) =	sbr.rel @p0 .LBB2_1-.Ltmp1, $4  }
0x16e: {  	s24 =	simm.s32 $0x8000;
	s28 =	simm.s32 $0x9800;
	s29 =	simm.s32 $0xA000  }
0x16f: {  	s30 =	simm.s32 $0xA800;
	s2 =	simm.s32 $0xB800;
	[sflag:s10] =	ssyncset.done $0x0  }
0x170: {  	s11 =	simm.s32 $0xC000;
	s25 =	simm.s32 $0x8800;
	[sflag:s10] =	ssyncadd.s32 $0xFFFF4000  }
0x171: {  	[dreg:$0x9] =	wrdreg s0;
	s26 =	simm.s32 $0x9000;
	s0 =	simm.s32 $0xB000  }
0x172: {  	_ =	sfence.sel $0x180000  }
0x173: {  	[bflag:$0x0] =	sbarrier.arrive $0xFFFF  }
0x174: {  	_ =	strace $0x90000047  }
0x175: {  	s0 =	stileid.u32;
	[bflag:$0x2] =	sbarrier.arrive $0xFFFF  }
0x176: {  	p0 =	sne.s32 s0, $0x0;
	s0 =	rddreg [dreg:$0x3]  }
0x177: {  	s0 =	sadd.s32 @!p0 $0x100000, s0  }
0x178: {  	[sflag:s0] =	ssyncadd.tile.s32 @!p0 $0x1;
	_ =	shalt  }
.Lfunc_end2:
_tile_overlayer_lowered:
.L_overlay_start_2:
0x179: {  	(tag) =	ssettag $0x2  }
0x17a: {  	s0 =	rddreg [dreg:$0x0];
	s2 =	stileid.u32  }
0x17b: {  	s1 =	rddreg [dreg:$0x1];
	p0 =	sne.s32 s2, $0x0  }
0x17c: {  	s3 =	rddreg [dreg:$0x2];
	[bflag:$0x3] =	sbarrier.arrive $0xFFFF;
	s2 =	simm.s32 @!p0 $0x1C05  }
0x17d: {  	[timem:s3], [sflag:s2] =	dma.local @!p0 [hbm:s0], s1  }
0x17e: {  	s0 =	simm.s32 @!p0 $0x5  }
0x17f: {  	_ =	swait.ge @!p0 [sflag:s0], s1  }
0x180: {  	s1 =	ssub.s32 @!p0 $0x0, s1;
	[sflag:s0] =	ssyncset.done @!p0 $0x0  }
0x181: {  	[sflag:s0] =	ssyncadd.s32 @!p0 s1  }
0x182: {  	[bflag:$0x3] =	sbarrier.arrive $0xFFFF  }
0x183: {  	_ =	shalt  }

</sc_bundles>
